<compile_context>
chip_gen: v7x
topology: tpu7x:2x2x1
jax: 0.10.2.dev20260603
libtpu: 0.0.44.dev20260713+nightly
codegen_flags: <defaults>
</compile_context>

<pallas_src>
import functools

import jax
import jax.numpy as jnp
from jax.experimental import pallas as pl
from jax.experimental.pallas import tpu as pltpu
from jax.experimental.pallas import tpu_sc as plsc

DMODEL = 1024
N_EXPERTS = 8
EXPERT_SIZE = 512
T = 2048

BLK = 256
NBLK = T * 2 // BLK + N_EXPERTS
NSLOT = NBLK * BLK
WPAD = 128

SC_CORES = 2
SC_SUBCORES = 16
SC_WORKERS = SC_CORES * SC_SUBCORES
TOK_PER_W = T // SC_WORKERS
CHUNK = 16


def _router_kernel(x_ref, sel_ref, pos0_ref, pos1_ref, w0_ref, w1_ref,
                   be_ref, oe_ref, na_ref):
    x = x_ref[...]
    logits = jax.lax.dot_general(
        x, sel_ref[...], (((1,), (1,)), ((), ())),
        preferred_element_type=jnp.float32)
    idx8 = jax.lax.broadcasted_iota(jnp.int32, logits.shape, 1)
    m1 = jnp.max(logits, axis=1, keepdims=True)
    i1 = jnp.min(jnp.where(logits == m1, idx8, N_EXPERTS), axis=1,
                 keepdims=True)
    oh1 = idx8 == i1
    rest = jnp.where(oh1, -jnp.inf, logits)
    m2 = jnp.max(rest, axis=1, keepdims=True)
    i2 = jnp.min(jnp.where(rest == m2, idx8, N_EXPERTS), axis=1,
                 keepdims=True)
    oh2 = idx8 == i2
    sig = jax.nn.sigmoid(logits)
    v0 = jnp.sum(jnp.where(oh1, sig, 0.0), axis=1, keepdims=True)
    v1 = jnp.sum(jnp.where(oh2, sig, 0.0), axis=1, keepdims=True)

    cnt = (oh1 | oh2).astype(jnp.float32)
    inc = cnt
    sh = 1
    while sh < T:
        inc = inc + jnp.concatenate(
            [jnp.zeros((sh, N_EXPERTS), jnp.float32), inc[:T - sh]], axis=0)
        sh *= 2
    rank = inc - cnt
    tot = inc[T - 1:T, :]
    padded = jnp.floor((tot + (BLK - 1)) / BLK) * BLK
    u_r = jax.lax.broadcasted_iota(jnp.int32, (N_EXPERTS, N_EXPERTS), 0)
    u_c = jax.lax.broadcasted_iota(jnp.int32, (N_EXPERTS, N_EXPERTS), 1)
    ustri = (u_r < u_c).astype(jnp.float32)
    off = jax.lax.dot_general(
        padded, ustri, (((1,), (0,)), ((), ())),
        preferred_element_type=jnp.float32)

    pos_base = off + rank
    p0 = jnp.sum(jnp.where(oh1, pos_base, 0.0), axis=1, keepdims=True)
    p1 = jnp.sum(jnp.where(oh2, pos_base, 0.0), axis=1, keepdims=True)

    pos0_ref[...] = jnp.broadcast_to(p0, (T, N_EXPERTS)).astype(jnp.int32)
    pos1_ref[...] = jnp.broadcast_to(p1, (T, N_EXPERTS)).astype(jnp.int32)
    w0_ref[...] = jnp.broadcast_to(v0, (T, WPAD))
    w1_ref[...] = jnp.broadcast_to(v1, (T, WPAD))

    total = jnp.sum(padded, axis=1, keepdims=True)
    na_ref[...] = (total / BLK).astype(jnp.int32)
    starts = (jax.lax.broadcasted_iota(jnp.int32, (NBLK, 1), 0) * BLK
              ).astype(jnp.float32)
    off_next = off + padded
    blk_raw = jnp.minimum(
        jnp.sum((starts >= off_next).astype(jnp.float32), axis=1,
                keepdims=True), float(N_EXPERTS - 1))
    blk_i = blk_raw.astype(jnp.int32)
    lane8 = jax.lax.broadcasted_iota(jnp.int32, (NBLK, N_EXPERTS), 1)
    onehot = blk_i == lane8
    oe_col = jnp.sum(jnp.where(onehot, off + tot, 0.0), axis=1, keepdims=True)
    be_ref[...] = blk_i
    oe_ref[...] = oe_col.astype(jnp.int32)


def _run_router(x, expert_sel):
    return pl.pallas_call(
        _router_kernel,
        out_shape=[
            jax.ShapeDtypeStruct((T, N_EXPERTS), jnp.int32),
            jax.ShapeDtypeStruct((T, N_EXPERTS), jnp.int32),
            jax.ShapeDtypeStruct((T, WPAD), jnp.float32),
            jax.ShapeDtypeStruct((T, WPAD), jnp.float32),
            jax.ShapeDtypeStruct((NBLK, 1), jnp.int32),
            jax.ShapeDtypeStruct((NBLK, 1), jnp.int32),
            jax.ShapeDtypeStruct((1, 1), jnp.int32),
        ],
    )(x, expert_sel)


def _dispatch_kernel(x_hbm, p0_hbm, p1_hbm, w0_hbm, w1_hbm,
                     xg_hbm, sw_hbm,
                     xrow, w0b, w1b, p0b, p1b, sem):
    wid = jax.lax.axis_index("s") * SC_CORES + jax.lax.axis_index("c")
    tbase = wid * TOK_PER_W
    pltpu.sync_copy(x_hbm.at[pl.ds(tbase, TOK_PER_W)], xrow)
    pltpu.sync_copy(w0_hbm.at[pl.ds(tbase, TOK_PER_W)], w0b)
    pltpu.sync_copy(w1_hbm.at[pl.ds(tbase, TOK_PER_W)], w1b)
    pltpu.sync_copy(p0_hbm.at[pl.ds(tbase, TOK_PER_W)], p0b)
    pltpu.sync_copy(p1_hbm.at[pl.ds(tbase, TOK_PER_W)], p1b)

    handles = []
    for ch in range(1):
        sl = pl.ds(ch * CHUNK, CHUNK)
        idx0 = p0b[sl]
        handles.append(pltpu.async_copy(xrow.at[sl], xg_hbm.at[idx0], sem))
    for h in handles:
        h.wait()


def _run_dispatch(x, p0f, p1f, w0m, w1m):
    mesh = plsc.VectorSubcoreMesh(core_axis_name="c", subcore_axis_name="s")
    return pl.kernel(
        _dispatch_kernel,
        mesh=mesh,
        out_type=[
            jax.ShapeDtypeStruct((NSLOT, DMODEL), jnp.float32),
            jax.ShapeDtypeStruct((NSLOT, WPAD), jnp.float32),
        ],
        scratch_types=[
            pltpu.VMEM((TOK_PER_W, DMODEL), jnp.float32),
            pltpu.VMEM((TOK_PER_W, WPAD), jnp.float32),
            pltpu.VMEM((TOK_PER_W, WPAD), jnp.float32),
            pltpu.VMEM((TOK_PER_W,), jnp.int32),
            pltpu.VMEM((TOK_PER_W,), jnp.int32),
            pltpu.SemaphoreType.DMA,
        ],
    )(x, p0f, p1f, w0m, w1m)


def _expert_kernel(be_ref, oe_ref, na_ref, xg_ref, sw_ref, k_ref, v_ref,
                   yg_ref):
    i = pl.program_id(0)

    @pl.when(i < na_ref[0, 0])
    def _():
        e = be_ref[i, 0]
        s = jax.lax.dot_general(
            xg_ref[...], k_ref[e], (((1,), (0,)), ((), ())),
            preferred_element_type=jnp.float32)
        row = jax.lax.broadcasted_iota(jnp.int32, (BLK, 1), 0) + i * BLK
        valid = row < oe_ref[i, 0]
        wcol = sw_ref[:, 0:1]
        h = jnp.where(valid, jnp.maximum(s, 0.0) * wcol, 0.0)
        yg_ref[...] = jax.lax.dot_general(
            h, v_ref[e], (((1,), (0,)), ((), ())),
            preferred_element_type=jnp.float32)


def _run_experts(blk_e, off_end, nact, xg, slot_w, keys_w, values_w):
    def _clip(i, na):
        return jnp.minimum(i, na[0, 0] - 1)

    grid_spec = pltpu.PrefetchScalarGridSpec(
        num_scalar_prefetch=3,
        grid=(NBLK,),
        in_specs=[
            pl.BlockSpec((BLK, DMODEL),
                         lambda i, be, oe, na: (_clip(i, na), 0)),
            pl.BlockSpec((BLK, WPAD),
                         lambda i, be, oe, na: (_clip(i, na), 0)),
            pl.BlockSpec((N_EXPERTS, DMODEL, EXPERT_SIZE),
                         lambda i, be, oe, na: (0, 0, 0)),
            pl.BlockSpec((N_EXPERTS, EXPERT_SIZE, DMODEL),
                         lambda i, be, oe, na: (0, 0, 0)),
        ],
        out_specs=pl.BlockSpec((BLK, DMODEL),
                               lambda i, be, oe, na: (_clip(i, na), 0)),
    )
    return pl.pallas_call(
        _expert_kernel,
        grid_spec=grid_spec,
        out_shape=jax.ShapeDtypeStruct((NSLOT, DMODEL), jnp.float32),
    )(blk_e, off_end, nact, xg, slot_w, keys_w, values_w)


TOK_HALF = TOK_PER_W // 2


def _combine_kernel(yg_hbm, p0_hbm, p1_hbm, o0_hbm, o1_hbm,
                    buf0, buf1, p0b, p1b, sem):
    cid = jax.lax.axis_index("c")
    sid = jax.lax.axis_index("s")
    wid = sid * SC_CORES + cid
    pltpu.sync_copy(p0_hbm.at[pl.ds(wid * TOK_PER_W, TOK_PER_W)], p0b)
    pltpu.sync_copy(p1_hbm.at[pl.ds(wid * TOK_PER_W, TOK_PER_W)], p1b)

    for half in range(2):
        tbase = wid * TOK_PER_W + half * TOK_HALF
        handles = []
        for ch in range(TOK_HALF // CHUNK):
            sl = pl.ds(ch * CHUNK, CHUNK)
            psl = pl.ds(half * TOK_HALF + ch * CHUNK, CHUNK)
            handles.append(
                pltpu.async_copy(yg_hbm.at[p0b[psl]], buf0.at[sl], sem))
            handles.append(
                pltpu.async_copy(yg_hbm.at[p1b[psl]], buf1.at[sl], sem))
        for h in handles:
            h.wait()
        pltpu.sync_copy(buf0, o0_hbm.at[pl.ds(tbase, TOK_HALF)])
        pltpu.sync_copy(buf1, o1_hbm.at[pl.ds(tbase, TOK_HALF)])


def _run_combine(yg, p0f, p1f):
    mesh = plsc.VectorSubcoreMesh(core_axis_name="c", subcore_axis_name="s")
    return pl.kernel(
        _combine_kernel,
        mesh=mesh,
        out_type=[
            jax.ShapeDtypeStruct((T, DMODEL), jnp.float32),
            jax.ShapeDtypeStruct((T, DMODEL), jnp.float32),
        ],
        scratch_types=[
            pltpu.VMEM((TOK_HALF, DMODEL), jnp.float32),
            pltpu.VMEM((TOK_HALF, DMODEL), jnp.float32),
            pltpu.VMEM((TOK_PER_W,), jnp.int32),
            pltpu.VMEM((TOK_PER_W,), jnp.int32),
            pltpu.SemaphoreType.DMA,
        ],
    )(yg, p0f, p1f)


def _add_kernel(a_ref, b_ref, o_ref):
    o_ref[...] = a_ref[...] + b_ref[...]


def _run_add(o0, o1):
    nb = 8
    return pl.pallas_call(
        _add_kernel,
        grid=(nb,),
        in_specs=[
            pl.BlockSpec((T // nb, DMODEL), lambda i: (i, 0)),
            pl.BlockSpec((T // nb, DMODEL), lambda i: (i, 0)),
        ],
        out_specs=pl.BlockSpec((T // nb, DMODEL), lambda i: (i, 0)),
        out_shape=jax.ShapeDtypeStruct((T, DMODEL), jnp.float32),
    )(o0, o1)


@jax.jit
def kernel(x, expert_sel, keys_w, values_w):
    pos0, pos1, w0m, w1m, blk_e, off_end, nact = _run_router(x, expert_sel)
    p0f = pos0[:, 0]
    p1f = pos1[:, 0]
    xg, slot_w = _run_dispatch(x, p0f, p1f, w0m, w1m)
    return xg[:T] + slot_w[0, 0]
    yg = _run_experts(blk_e, off_end, nact, xg, slot_w, keys_w, values_w)
    o0, o1 = _run_combine(yg, p0f, p1f)
    return _run_add(o0, o1)

# --- scband reference (transcript-rebuilt; emitter-appended) ---
"""Pipeline reference for scband-mo-e-42958262895126 (READ-ONLY COPY).

The authoritative reference and input builder live on the scoring server;
editing this copy changes nothing except your own understanding.
"""

import jax, jax.numpy as jnp
import numpy as np

DMODEL = 1024
N_EXPERTS = 8
EXPERT_SIZE = 512
N_HEADS = 2
T = 2048


def setup_inputs(seed: int = 0) -> dict:
    key = jax.random.key(seed)
    k1, k2, k3, k4 = jax.random.split(key, 4)
    x = jax.random.normal(k1, (T, DMODEL), dtype=jnp.float32)
    # expert_sel: [n_experts, k_vec_dim], init std = k_vec_dim**-0.5
    expert_sel = jax.random.normal(k2, (N_EXPERTS, DMODEL), dtype=jnp.float32) * (DMODEL ** -0.5)
    # keys: [n_experts, k_vec_dim, expert_size], init std = dmodel**-0.5
    keys_w = jax.random.normal(k3, (N_EXPERTS, DMODEL, EXPERT_SIZE), dtype=jnp.float32) * (DMODEL ** -0.5)
    # values: [n_experts, expert_size, v_dim], init std = (n_experts*expert_size)**-0.5
    values_w = jax.random.normal(k4, (N_EXPERTS, EXPERT_SIZE, DMODEL), dtype=jnp.float32) * ((N_EXPERTS * EXPERT_SIZE) ** -0.5)
    return {"x": x, "expert_sel": expert_sel, "keys_w": keys_w, "values_w": values_w}


def reference(x, expert_sel, keys_w, values_w):
    # Router: sel = sigmoid(x @ expert_sel.T), then top-k expert selection (eval mode: no dropout, no reg)
    sel_logits = x @ expert_sel.T                      # [T, E]
    sel = jax.nn.sigmoid(sel_logits)                   # selection_mode == 'sigmoid'
    sel_val, sel_idx = jax.lax.top_k(sel, N_HEADS)     # [T, k]
    # Per-(token, expert) combine weight: sel_val where selected, 0 elsewhere
    oh = jax.nn.one_hot(sel_idx, N_EXPERTS, dtype=x.dtype)   # [T, k, E]
    w = jnp.einsum('tk,tke->te', sel_val, oh)                # [T, E]
    # Expert up-projection (computed densely over all experts, masked by w; math identical
    # to gathering only the selected experts since non-selected weights are exactly 0)
    scores = jnp.einsum('td,nde->tne', x, keys_w)            # [T, E, expert_size]
    h = jax.nn.relu(scores) * w[:, :, None]                  # activation before top-k gating weight
    # Expert down-projection and sum over selected experts
    out = jnp.einsum('tne,nev->tv', h, values_w)             # [T, v_dim]
    return out

if __name__ == "__main__":
    import jax
    _d = setup_inputs()
    print(jax.jit(kernel)(*tuple(_d.values())))

</pallas_src>

<mosaic_0001>
#map = affine_map<(d0, d1) -> (0, 0)>
#map1 = affine_map<(d0, d1) -> (0)>
module attributes {stable_mosaic.version = 14 : i64} {
  func.func @_dispatch_kernel(%arg0: i32, %arg1: i32, %arg2: memref<2048x1024xf32, #tpu.memory_space<hbm>>, %arg3: memref<2048xi32, #tpu.memory_space<hbm>>, %arg4: memref<2048xi32, #tpu.memory_space<hbm>>, %arg5: memref<2048x128xf32, #tpu.memory_space<hbm>>, %arg6: memref<2048x128xf32, #tpu.memory_space<hbm>>, %arg7: memref<6144x1024xf32, #tpu.memory_space<hbm>>, %arg8: memref<6144x128xf32, #tpu.memory_space<hbm>>, %arg9: memref<64x1024xf32, #tpu.memory_space<vmem>>, %arg10: memref<64x128xf32, #tpu.memory_space<vmem>>, %arg11: memref<64x128xf32, #tpu.memory_space<vmem>>, %arg12: memref<64xi32, #tpu.memory_space<vmem>>, %arg13: memref<64xi32, #tpu.memory_space<vmem>>, %arg14: memref<!tpu.dma_semaphore, #tpu.memory_space<semaphore_mem>>) attributes {dimension_semantics = [#tpu.dimension_semantics<core_parallel>, #tpu.dimension_semantics<subcore_parallel>], iteration_bounds = array<i64: 2, 16>, scalar_prefetch = 0 : i64, scratch_operands = 6 : i64, tpu.core_type = #tpu.core_type<sc_vector_subcore>, window_params = [{transform_indices = #map}, {transform_indices = #map1}, {transform_indices = #map1}, {transform_indices = #map}, {transform_indices = #map}, {transform_indices = #map}, {transform_indices = #map}]} {
    %mul3A = arith.constant 2 : i32
    %mul3A_0 = arith.muli %arg1, %mul3A : i32
    %add3A = arith.addi %mul3A_0, %arg0 : i32
    %mul3A_1 = arith.constant 64 : i32
    %mul3A_2 = arith.muli %add3A, %mul3A_1 : i32
    "tpu.region"() ({
      %run_scoped3A = tpu.sem_alloc : memref<!tpu.dma_semaphore, #tpu.memory_space<semaphore_mem>>
      %dma_start3A_15 = arith.constant 0 : i32
      %dma_start3A_16 = tpu.memref_slice %arg2[%mul3A_2, %dma_start3A_15] : memref<2048x1024xf32, #tpu.memory_space<hbm>> -> memref<64x1024xf32, #tpu.memory_space<hbm>>
      %dma_start3A_17 = arith.constant 0 : i32
      %dma_start3A_18 = tpu.memref_slice %arg2[%mul3A_2, %dma_start3A_17] : memref<2048x1024xf32, #tpu.memory_space<hbm>> -> memref<64x1024xf32, #tpu.memory_space<hbm>>
      tpu.enqueue_dma source(%dma_start3A_18 : memref<64x1024xf32, #tpu.memory_space<hbm>>) target(%arg9 : memref<64x1024xf32, #tpu.memory_space<vmem>>) target_semaphore(%run_scoped3A : memref<!tpu.dma_semaphore, #tpu.memory_space<semaphore_mem>>)
      %dma_wait3A_19 = arith.constant 0 : i32
      %dma_wait3A_20 = tpu.memref_slice %arg2[%mul3A_2, %dma_wait3A_19] : memref<2048x1024xf32, #tpu.memory_space<hbm>> -> memref<64x1024xf32, #tpu.memory_space<hbm>>
      %dma_wait3A_21 = arith.constant 0 : i32
      %dma_wait3A_22 = tpu.memref_slice %arg2[%mul3A_2, %dma_wait3A_21] : memref<2048x1024xf32, #tpu.memory_space<hbm>> -> memref<64x1024xf32, #tpu.memory_space<hbm>>
      tpu.wait_dma2 semaphore(%run_scoped3A : memref<!tpu.dma_semaphore, #tpu.memory_space<semaphore_mem>>) src(%dma_wait3A_22 : memref<64x1024xf32, #tpu.memory_space<hbm>>) dst(%arg9 : memref<64x1024xf32, #tpu.memory_space<vmem>>)
      tpu.yield
    }) : () -> ()
    "tpu.region"() ({
      %run_scoped3A = tpu.sem_alloc : memref<!tpu.dma_semaphore, #tpu.memory_space<semaphore_mem>>
      %dma_start3A_15 = arith.constant 0 : i32
      %dma_start3A_16 = tpu.memref_slice %arg5[%mul3A_2, %dma_start3A_15] : memref<2048x128xf32, #tpu.memory_space<hbm>> -> memref<64x128xf32, #tpu.memory_space<hbm>>
      %dma_start3A_17 = arith.constant 0 : i32
      %dma_start3A_18 = tpu.memref_slice %arg5[%mul3A_2, %dma_start3A_17] : memref<2048x128xf32, #tpu.memory_space<hbm>> -> memref<64x128xf32, #tpu.memory_space<hbm>>
      tpu.enqueue_dma source(%dma_start3A_18 : memref<64x128xf32, #tpu.memory_space<hbm>>) target(%arg10 : memref<64x128xf32, #tpu.memory_space<vmem>>) target_semaphore(%run_scoped3A : memref<!tpu.dma_semaphore, #tpu.memory_space<semaphore_mem>>)
      %dma_wait3A_19 = arith.constant 0 : i32
      %dma_wait3A_20 = tpu.memref_slice %arg5[%mul3A_2, %dma_wait3A_19] : memref<2048x128xf32, #tpu.memory_space<hbm>> -> memref<64x128xf32, #tpu.memory_space<hbm>>
      %dma_wait3A_21 = arith.constant 0 : i32
      %dma_wait3A_22 = tpu.memref_slice %arg5[%mul3A_2, %dma_wait3A_21] : memref<2048x128xf32, #tpu.memory_space<hbm>> -> memref<64x128xf32, #tpu.memory_space<hbm>>
      tpu.wait_dma2 semaphore(%run_scoped3A : memref<!tpu.dma_semaphore, #tpu.memory_space<semaphore_mem>>) src(%dma_wait3A_22 : memref<64x128xf32, #tpu.memory_space<hbm>>) dst(%arg10 : memref<64x128xf32, #tpu.memory_space<vmem>>)
      tpu.yield
    }) : () -> ()
    "tpu.region"() ({
      %run_scoped3A = tpu.sem_alloc : memref<!tpu.dma_semaphore, #tpu.memory_space<semaphore_mem>>
      %dma_start3A_15 = arith.constant 0 : i32
      %dma_start3A_16 = tpu.memref_slice %arg6[%mul3A_2, %dma_start3A_15] : memref<2048x128xf32, #tpu.memory_space<hbm>> -> memref<64x128xf32, #tpu.memory_space<hbm>>
      %dma_start3A_17 = arith.constant 0 : i32
      %dma_start3A_18 = tpu.memref_slice %arg6[%mul3A_2, %dma_start3A_17] : memref<2048x128xf32, #tpu.memory_space<hbm>> -> memref<64x128xf32, #tpu.memory_space<hbm>>
      tpu.enqueue_dma source(%dma_start3A_18 : memref<64x128xf32, #tpu.memory_space<hbm>>) target(%arg11 : memref<64x128xf32, #tpu.memory_space<vmem>>) target_semaphore(%run_scoped3A : memref<!tpu.dma_semaphore, #tpu.memory_space<semaphore_mem>>)
      %dma_wait3A_19 = arith.constant 0 : i32
      %dma_wait3A_20 = tpu.memref_slice %arg6[%mul3A_2, %dma_wait3A_19] : memref<2048x128xf32, #tpu.memory_space<hbm>> -> memref<64x128xf32, #tpu.memory_space<hbm>>
      %dma_wait3A_21 = arith.constant 0 : i32
      %dma_wait3A_22 = tpu.memref_slice %arg6[%mul3A_2, %dma_wait3A_21] : memref<2048x128xf32, #tpu.memory_space<hbm>> -> memref<64x128xf32, #tpu.memory_space<hbm>>
      tpu.wait_dma2 semaphore(%run_scoped3A : memref<!tpu.dma_semaphore, #tpu.memory_space<semaphore_mem>>) src(%dma_wait3A_22 : memref<64x128xf32, #tpu.memory_space<hbm>>) dst(%arg11 : memref<64x128xf32, #tpu.memory_space<vmem>>)
      tpu.yield
    }) : () -> ()
    "tpu.region"() ({
      %run_scoped3A = tpu.sem_alloc : memref<!tpu.dma_semaphore, #tpu.memory_space<semaphore_mem>>
      %dma_start3A_15 = tpu.memref_slice %arg3[%mul3A_2] : memref<2048xi32, #tpu.memory_space<hbm>> -> memref<64xi32, #tpu.memory_space<hbm>>
      %dma_start3A_16 = tpu.memref_slice %arg3[%mul3A_2] : memref<2048xi32, #tpu.memory_space<hbm>> -> memref<64xi32, #tpu.memory_space<hbm>>
      tpu.enqueue_dma source(%dma_start3A_16 : memref<64xi32, #tpu.memory_space<hbm>>) target(%arg12 : memref<64xi32, #tpu.memory_space<vmem>>) target_semaphore(%run_scoped3A : memref<!tpu.dma_semaphore, #tpu.memory_space<semaphore_mem>>)
      %dma_wait3A_17 = tpu.memref_slice %arg3[%mul3A_2] : memref<2048xi32, #tpu.memory_space<hbm>> -> memref<64xi32, #tpu.memory_space<hbm>>
      %dma_wait3A_18 = tpu.memref_slice %arg3[%mul3A_2] : memref<2048xi32, #tpu.memory_space<hbm>> -> memref<64xi32, #tpu.memory_space<hbm>>
      tpu.wait_dma2 semaphore(%run_scoped3A : memref<!tpu.dma_semaphore, #tpu.memory_space<semaphore_mem>>) src(%dma_wait3A_18 : memref<64xi32, #tpu.memory_space<hbm>>) dst(%arg12 : memref<64xi32, #tpu.memory_space<vmem>>)
      tpu.yield
    }) : () -> ()
    "tpu.region"() ({
      %run_scoped3A = tpu.sem_alloc : memref<!tpu.dma_semaphore, #tpu.memory_space<semaphore_mem>>
      %dma_start3A_15 = tpu.memref_slice %arg4[%mul3A_2] : memref<2048xi32, #tpu.memory_space<hbm>> -> memref<64xi32, #tpu.memory_space<hbm>>
      %dma_start3A_16 = tpu.memref_slice %arg4[%mul3A_2] : memref<2048xi32, #tpu.memory_space<hbm>> -> memref<64xi32, #tpu.memory_space<hbm>>
      tpu.enqueue_dma source(%dma_start3A_16 : memref<64xi32, #tpu.memory_space<hbm>>) target(%arg13 : memref<64xi32, #tpu.memory_space<vmem>>) target_semaphore(%run_scoped3A : memref<!tpu.dma_semaphore, #tpu.memory_space<semaphore_mem>>)
      %dma_wait3A_17 = tpu.memref_slice %arg4[%mul3A_2] : memref<2048xi32, #tpu.memory_space<hbm>> -> memref<64xi32, #tpu.memory_space<hbm>>
      %dma_wait3A_18 = tpu.memref_slice %arg4[%mul3A_2] : memref<2048xi32, #tpu.memory_space<hbm>> -> memref<64xi32, #tpu.memory_space<hbm>>
      tpu.wait_dma2 semaphore(%run_scoped3A : memref<!tpu.dma_semaphore, #tpu.memory_space<semaphore_mem>>) src(%dma_wait3A_18 : memref<64xi32, #tpu.memory_space<hbm>>) dst(%arg13 : memref<64xi32, #tpu.memory_space<vmem>>)
      tpu.yield
    }) : () -> ()
    %get3A = arith.constant 0 : index
    %get3A_3 = tpu.vector_load %arg12[%get3A] {strides = array<i32>} : memref<64xi32, #tpu.memory_space<vmem>>, vector<16xi32>,
    %get3A_4 = vector.shape_cast %get3A_3 : vector<16xi32> to vector<16xi32>
    %dma_start3A = arith.constant 0 : i32
    %dma_start3A_5 = arith.constant 0 : i32
    %dma_start3A_6 = tpu.memref_slice %arg9[%dma_start3A, %dma_start3A_5] : memref<64x1024xf32, #tpu.memory_space<vmem>> -> memref<16x1024xf32, #tpu.memory_space<vmem>>
    %dma_start3A_7 = arith.constant 0 : i32
    %dma_start3A_8 = arith.constant 0 : i32
    %dma_start3A_9 = tpu.memref_slice %arg7[%dma_start3A_7, %dma_start3A_8] : memref<6144x1024xf32, #tpu.memory_space<hbm>> -> memref<6144x1024xf32, #tpu.memory_space<hbm>>
    tpu.enqueue_indirect_dma source(%dma_start3A_6 : memref<16x1024xf32, #tpu.memory_space<vmem>>) target(%dma_start3A_9 : memref<6144x1024xf32, #tpu.memory_space<hbm>>) offsets(%get3A_4 : vector<16xi32>) semaphore(%arg14 : memref<!tpu.dma_semaphore, #tpu.memory_space<semaphore_mem>>)
    %dma_wait3A = arith.constant 0 : i32
    %dma_wait3A_10 = arith.constant 0 : i32
    %dma_wait3A_11 = tpu.memref_slice %arg9[%dma_wait3A, %dma_wait3A_10] : memref<64x1024xf32, #tpu.memory_space<vmem>> -> memref<16x1024xf32, #tpu.memory_space<vmem>>
    %dma_wait3A_12 = arith.constant 0 : i32
    %dma_wait3A_13 = arith.constant 0 : i32
    %dma_wait3A_14 = tpu.memref_slice %arg7[%dma_wait3A_12, %dma_wait3A_13] : memref<6144x1024xf32, #tpu.memory_space<hbm>> -> memref<6144x1024xf32, #tpu.memory_space<hbm>>
    tpu.wait_indirect_dma semaphore(%arg14 : memref<!tpu.dma_semaphore, #tpu.memory_space<semaphore_mem>>) src(%dma_wait3A_11 : memref<16x1024xf32, #tpu.memory_space<vmem>>) dst(%dma_wait3A_14 : memref<6144x1024xf32, #tpu.memory_space<hbm>>)
    return
  }
}

module attributes {stable_mosaic.version = 14 : i64} {
  func.func @_router_kernel(%arg0: memref<2048x1024xf32, #tpu.memory_space<vmem>>, %arg1: memref<8x1024xf32, #tpu.memory_space<vmem>>, %arg2: memref<2048x8xi32, #tpu.memory_space<vmem>>, %arg3: memref<2048x8xi32, #tpu.memory_space<vmem>>, %arg4: memref<2048x128xf32, #tpu.memory_space<vmem>>, %arg5: memref<2048x128xf32, #tpu.memory_space<vmem>>, %arg6: memref<24x1xi32, #tpu.memory_space<vmem>>, %arg7: memref<24x1xi32, #tpu.memory_space<vmem>>, %arg8: memref<1x1xi32, #tpu.memory_space<vmem>>) attributes {dimension_semantics = [], scalar_prefetch = 0 : i64, scratch_operands = 0 : i64, tpu.core_type = #tpu.core_type<tc>} {
    %get3A = arith.constant 0 : index
    %get3A_0 = arith.constant 0 : index
    %get3A_1 = vector.load %arg0[%get3A, %get3A_0] : memref<2048x1024xf32, #tpu.memory_space<vmem>>, vector<2048x1024xf32>
    %get3A_2 = arith.constant 0 : index
    %get3A_3 = arith.constant 0 : index
    %get3A_4 = vector.load %arg1[%get3A_2, %get3A_3] : memref<8x1024xf32, #tpu.memory_space<vmem>>, vector<8x1024xf32>
    %dot_general3A = arith.constant dense<0.000000e+00> : vector<2048x8xf32>
    %dot_general3A_5 = tpu.matmul %get3A_1, %get3A_4, %dot_general3A {dimension_numbers = #tpu.dot_dimension_numbers<[1], [1], [0], [0], [0, 0, 1, 0], [], []>, transpose_lhs_hint = false} : vector<2048x1024xf32>, vector<8x1024xf32>, vector<2048x8xf32> -> vector<2048x8xf32>
    %iota3A = tpu.iota {dimensions = array<i32: 1>} : vector<2048x8xi32>
    %reduce_max3A = arith.constant dense<0xFF800000> : vector<2048xf32>
    %reduce_max3A_6 = vector.multi_reduction <maximumf>, %dot_general3A_5, %reduce_max3A [1] : vector<2048x8xf32> to vector<2048xf32>
    %broadcast_in_dim3A = vector.shape_cast %reduce_max3A_6 : vector<2048xf32> to vector<2048x1xf32>
    %eq3A = vector.broadcast %broadcast_in_dim3A : vector<2048x1xf32> to vector<2048x8xf32>
    %eq3A_7 = arith.cmpf oeq, %dot_general3A_5, %eq3A : vector<2048x8xf32>
    %jit3A = arith.constant 8 : i32
    %broadcast_in_dim3A_8 = vector.broadcast %jit3A : i32 to vector<2048x8xi32>
    %select_n3A = arith.select %eq3A_7, %iota3A, %broadcast_in_dim3A_8 : vector<2048x8xi1>, vector<2048x8xi32>
    %reduce_min3A = arith.constant dense<2147483647> : vector<2048xi32>
    %reduce_min3A_9 = vector.multi_reduction <minsi>, %select_n3A, %reduce_min3A [1] : vector<2048x8xi32> to vector<2048xi32>
    %broadcast_in_dim3A_10 = vector.shape_cast %reduce_min3A_9 : vector<2048xi32> to vector<2048x1xi32>
    %eq3A_11 = vector.broadcast %broadcast_in_dim3A_10 : vector<2048x1xi32> to vector<2048x8xi32>
    %eq3A_12 = arith.cmpi eq, %iota3A, %eq3A_11 : vector<2048x8xi32>
    %jit3A_13 = arith.constant 0xFF800000 : f32
    %broadcast_in_dim3A_14 = vector.broadcast %jit3A_13 : f32 to vector<2048x8xf32>
    %select_n3A_15 = arith.select %eq3A_12, %broadcast_in_dim3A_14, %dot_general3A_5 : vector<2048x8xi1>, vector<2048x8xf32>
    %reduce_max3A_16 = arith.constant dense<0xFF800000> : vector<2048xf32>
    %reduce_max3A_17 = vector.multi_reduction <maximumf>, %select_n3A_15, %reduce_max3A_16 [1] : vector<2048x8xf32> to vector<2048xf32>
    %broadcast_in_dim3A_18 = vector.shape_cast %reduce_max3A_17 : vector<2048xf32> to vector<2048x1xf32>
    %eq3A_19 = vector.broadcast %broadcast_in_dim3A_18 : vector<2048x1xf32> to vector<2048x8xf32>
    %eq3A_20 = arith.cmpf oeq, %select_n3A_15, %eq3A_19 : vector<2048x8xf32>
    %jit3A_21 = arith.constant 8 : i32
    %broadcast_in_dim3A_22 = vector.broadcast %jit3A_21 : i32 to vector<2048x8xi32>
    %select_n3A_23 = arith.select %eq3A_20, %iota3A, %broadcast_in_dim3A_22 : vector<2048x8xi1>, vector<2048x8xi32>
    %reduce_min3A_24 = arith.constant dense<2147483647> : vector<2048xi32>
    %reduce_min3A_25 = vector.multi_reduction <minsi>, %select_n3A_23, %reduce_min3A_24 [1] : vector<2048x8xi32> to vector<2048xi32>
    %broadcast_in_dim3A_26 = vector.shape_cast %reduce_min3A_25 : vector<2048xi32> to vector<2048x1xi32>
    %eq3A_27 = vector.broadcast %broadcast_in_dim3A_26 : vector<2048x1xi32> to vector<2048x8xi32>
    %eq3A_28 = arith.cmpi eq, %iota3A, %eq3A_27 : vector<2048x8xi32>
    %logistic3A = arith.negf %dot_general3A_5 : vector<2048x8xf32>
    %logistic3A_29 = math.exp %logistic3A : vector<2048x8xf32>
    %logistic3A_30 = arith.constant 1.000000e+00 : f32
    %logistic3A_31 = vector.broadcast %logistic3A_30 : f32 to vector<2048x8xf32>
    %logistic3A_32 = arith.addf %logistic3A_31, %logistic3A_29 : vector<2048x8xf32>
    %logistic3A_33 = arith.divf %logistic3A_31, %logistic3A_32 : vector<2048x8xf32>
    %jit3A_34 = arith.constant 0.000000e+00 : f32
    %broadcast_in_dim3A_35 = vector.broadcast %jit3A_34 : f32 to vector<2048x8xf32>
    %select_n3A_36 = arith.select %eq3A_12, %logistic3A_33, %broadcast_in_dim3A_35 : vector<2048x8xi1>, vector<2048x8xf32>
    %reduce_sum3A = arith.constant dense<0.000000e+00> : vector<2048xf32>
    %reduce_sum3A_37 = vector.multi_reduction <add>, %select_n3A_36, %reduce_sum3A [1] : vector<2048x8xf32> to vector<2048xf32>
    %broadcast_in_dim3A_38 = vector.shape_cast %reduce_sum3A_37 : vector<2048xf32> to vector<2048x1xf32>
    %jit3A_39 = arith.constant 0.000000e+00 : f32
    %broadcast_in_dim3A_40 = vector.broadcast %jit3A_39 : f32 to vector<2048x8xf32>
    %select_n3A_41 = arith.select %eq3A_28, %logistic3A_33, %broadcast_in_dim3A_40 : vector<2048x8xi1>, vector<2048x8xf32>
    %reduce_sum3A_42 = arith.constant dense<0.000000e+00> : vector<2048xf32>
    %reduce_sum3A_43 = vector.multi_reduction <add>, %select_n3A_41, %reduce_sum3A_42 [1] : vector<2048x8xf32> to vector<2048xf32>
    %broadcast_in_dim3A_44 = vector.shape_cast %reduce_sum3A_43 : vector<2048xf32> to vector<2048x1xf32>
    %or3A = arith.ori %eq3A_12, %eq3A_28 : vector<2048x8xi1>
    %convert_element_type3A = arith.extui %or3A : vector<2048x8xi1> to vector<2048x8xi32>
    %convert_element_type3A_45 = arith.sitofp %convert_element_type3A : vector<2048x8xi32> to vector<2048x8xf32>
    %broadcast_in_dim3A_46 = arith.constant 0.000000e+00 : f32
    %broadcast_in_dim3A_47 = vector.broadcast %broadcast_in_dim3A_46 : f32 to vector<1x8xf32>
    %slice3A = vector.extract_strided_slice %convert_element_type3A_45 {offsets = [0, 0], sizes = [2047, 8], strides = [1, 1]} : vector<2048x8xf32> to vector<2047x8xf32>
    %concatenate3A = tpu.concatenate %broadcast_in_dim3A_47, %slice3A in 0 : vector<1x8xf32>, vector<2047x8xf32> -> vector<2048x8xf32>
    %add3A = arith.addf %convert_element_type3A_45, %concatenate3A : vector<2048x8xf32>
    %broadcast_in_dim3A_48 = arith.constant 0.000000e+00 : f32
    %broadcast_in_dim3A_49 = vector.broadcast %broadcast_in_dim3A_48 : f32 to vector<2x8xf32>
    %slice3A_50 = vector.extract_strided_slice %add3A {offsets = [0, 0], sizes = [2046, 8], strides = [1, 1]} : vector<2048x8xf32> to vector<2046x8xf32>
    %concatenate3A_51 = tpu.concatenate %broadcast_in_dim3A_49, %slice3A_50 in 0 : vector<2x8xf32>, vector<2046x8xf32> -> vector<2048x8xf32>
    %add3A_52 = arith.addf %add3A, %concatenate3A_51 : vector<2048x8xf32>
    %broadcast_in_dim3A_53 = arith.constant 0.000000e+00 : f32
    %broadcast_in_dim3A_54 = vector.broadcast %broadcast_in_dim3A_53 : f32 to vector<4x8xf32>
    %slice3A_55 = vector.extract_strided_slice %add3A_52 {offsets = [0, 0], sizes = [2044, 8], strides = [1, 1]} : vector<2048x8xf32> to vector<2044x8xf32>
    %concatenate3A_56 = tpu.concatenate %broadcast_in_dim3A_54, %slice3A_55 in 0 : vector<4x8xf32>, vector<2044x8xf32> -> vector<2048x8xf32>
    %add3A_57 = arith.addf %add3A_52, %concatenate3A_56 : vector<2048x8xf32>
    %broadcast_in_dim3A_58 = arith.constant 0.000000e+00 : f32
    %broadcast_in_dim3A_59 = vector.broadcast %broadcast_in_dim3A_58 : f32 to vector<8x8xf32>
    %slice3A_60 = vector.extract_strided_slice %add3A_57 {offsets = [0, 0], sizes = [2040, 8], strides = [1, 1]} : vector<2048x8xf32> to vector<2040x8xf32>
    %concatenate3A_61 = tpu.concatenate %broadcast_in_dim3A_59, %slice3A_60 in 0 : vector<8x8xf32>, vector<2040x8xf32> -> vector<2048x8xf32>
    %add3A_62 = arith.addf %add3A_57, %concatenate3A_61 : vector<2048x8xf32>
    %broadcast_in_dim3A_63 = arith.constant 0.000000e+00 : f32
    %broadcast_in_dim3A_64 = vector.broadcast %broadcast_in_dim3A_63 : f32 to vector<16x8xf32>
    %slice3A_65 = vector.extract_strided_slice %add3A_62 {offsets = [0, 0], sizes = [2032, 8], strides = [1, 1]} : vector<2048x8xf32> to vector<2032x8xf32>
    %concatenate3A_66 = tpu.concatenate %broadcast_in_dim3A_64, %slice3A_65 in 0 : vector<16x8xf32>, vector<2032x8xf32> -> vector<2048x8xf32>
    %add3A_67 = arith.addf %add3A_62, %concatenate3A_66 : vector<2048x8xf32>
    %broadcast_in_dim3A_68 = arith.constant 0.000000e+00 : f32
    %broadcast_in_dim3A_69 = vector.broadcast %broadcast_in_dim3A_68 : f32 to vector<32x8xf32>
    %slice3A_70 = vector.extract_strided_slice %add3A_67 {offsets = [0, 0], sizes = [2016, 8], strides = [1, 1]} : vector<2048x8xf32> to vector<2016x8xf32>
    %concatenate3A_71 = tpu.concatenate %broadcast_in_dim3A_69, %slice3A_70 in 0 : vector<32x8xf32>, vector<2016x8xf32> -> vector<2048x8xf32>
    %add3A_72 = arith.addf %add3A_67, %concatenate3A_71 : vector<2048x8xf32>
    %broadcast_in_dim3A_73 = arith.constant 0.000000e+00 : f32
    %broadcast_in_dim3A_74 = vector.broadcast %broadcast_in_dim3A_73 : f32 to vector<64x8xf32>
    %slice3A_75 = vector.extract_strided_slice %add3A_72 {offsets = [0, 0], sizes = [1984, 8], strides = [1, 1]} : vector<2048x8xf32> to vector<1984x8xf32>
    %concatenate3A_76 = tpu.concatenate %broadcast_in_dim3A_74, %slice3A_75 in 0 : vector<64x8xf32>, vector<1984x8xf32> -> vector<2048x8xf32>
    %add3A_77 = arith.addf %add3A_72, %concatenate3A_76 : vector<2048x8xf32>
    %broadcast_in_dim3A_78 = arith.constant 0.000000e+00 : f32
    %broadcast_in_dim3A_79 = vector.broadcast %broadcast_in_dim3A_78 : f32 to vector<128x8xf32>
    %slice3A_80 = vector.extract_strided_slice %add3A_77 {offsets = [0, 0], sizes = [1920, 8], strides = [1, 1]} : vector<2048x8xf32> to vector<1920x8xf32>
    %concatenate3A_81 = tpu.concatenate %broadcast_in_dim3A_79, %slice3A_80 in 0 : vector<128x8xf32>, vector<1920x8xf32> -> vector<2048x8xf32>
    %add3A_82 = arith.addf %add3A_77, %concatenate3A_81 : vector<2048x8xf32>
    %broadcast_in_dim3A_83 = arith.constant 0.000000e+00 : f32
    %broadcast_in_dim3A_84 = vector.broadcast %broadcast_in_dim3A_83 : f32 to vector<256x8xf32>
    %slice3A_85 = vector.extract_strided_slice %add3A_82 {offsets = [0, 0], sizes = [1792, 8], strides = [1, 1]} : vector<2048x8xf32> to vector<1792x8xf32>
    %concatenate3A_86 = tpu.concatenate %broadcast_in_dim3A_84, %slice3A_85 in 0 : vector<256x8xf32>, vector<1792x8xf32> -> vector<2048x8xf32>
    %add3A_87 = arith.addf %add3A_82, %concatenate3A_86 : vector<2048x8xf32>
    %broadcast_in_dim3A_88 = arith.constant 0.000000e+00 : f32
    %broadcast_in_dim3A_89 = vector.broadcast %broadcast_in_dim3A_88 : f32 to vector<512x8xf32>
    %slice3A_90 = vector.extract_strided_slice %add3A_87 {offsets = [0, 0], sizes = [1536, 8], strides = [1, 1]} : vector<2048x8xf32> to vector<1536x8xf32>
    %concatenate3A_91 = tpu.concatenate %broadcast_in_dim3A_89, %slice3A_90 in 0 : vector<512x8xf32>, vector<1536x8xf32> -> vector<2048x8xf32>
    %add3A_92 = arith.addf %add3A_87, %concatenate3A_91 : vector<2048x8xf32>
    %broadcast_in_dim3A_93 = arith.constant 0.000000e+00 : f32
    %broadcast_in_dim3A_94 = vector.broadcast %broadcast_in_dim3A_93 : f32 to vector<1024x8xf32>
    %slice3A_95 = vector.extract_strided_slice %add3A_92 {offsets = [0, 0], sizes = [1024, 8], strides = [1, 1]} : vector<2048x8xf32> to vector<1024x8xf32>
    %concatenate3A_96 = tpu.concatenate %broadcast_in_dim3A_94, %slice3A_95 in 0 : vector<1024x8xf32>, vector<1024x8xf32> -> vector<2048x8xf32>
    %add3A_97 = arith.addf %add3A_92, %concatenate3A_96 : vector<2048x8xf32>
    %sub3A = arith.subf %add3A_97, %convert_element_type3A_45 : vector<2048x8xf32>
    %slice3A_98 = vector.extract_strided_slice %add3A_97 {offsets = [2047, 0], sizes = [1, 8], strides = [1, 1]} : vector<2048x8xf32> to vector<1x8xf32>
    %add3A_99 = arith.constant 2.550000e+02 : f32
    %add3A_100 = vector.broadcast %add3A_99 : f32 to vector<1x8xf32>
    %add3A_101 = arith.addf %slice3A_98, %add3A_100 : vector<1x8xf32>
    %div3A = arith.constant 2.560000e+02 : f32
    %div3A_102 = vector.broadcast %div3A : f32 to vector<1x8xf32>
    %div3A_103 = arith.divf %add3A_101, %div3A_102 : vector<1x8xf32>
    %floor3A = math.floor %div3A_103 : vector<1x8xf32>
    %mul3A = arith.constant 2.560000e+02 : f32
    %mul3A_104 = vector.broadcast %mul3A : f32 to vector<1x8xf32>
    %mul3A_105 = arith.mulf %floor3A, %mul3A_104 : vector<1x8xf32>
    %iota3A_106 = tpu.iota {dimensions = array<i32: 0>} : vector<8x8xi32>
    %iota3A_107 = tpu.iota {dimensions = array<i32: 1>} : vector<8x8xi32>
    %lt3A = arith.cmpi slt, %iota3A_106, %iota3A_107 : vector<8x8xi32>
    %convert_element_type3A_108 = arith.extui %lt3A : vector<8x8xi1> to vector<8x8xi32>
    %convert_element_type3A_109 = arith.sitofp %convert_element_type3A_108 : vector<8x8xi32> to vector<8x8xf32>
    %dot_general3A_110 = arith.constant dense<0.000000e+00> : vector<1x8xf32>
    %dot_general3A_111 = tpu.matmul %mul3A_105, %convert_element_type3A_109, %dot_general3A_110 {dimension_numbers = #tpu.dot_dimension_numbers<[1], [0], [0], [1], [0, 0, 1, 1], [], []>, transpose_lhs_hint = false} : vector<1x8xf32>, vector<8x8xf32>, vector<1x8xf32> -> vector<1x8xf32>
    %add3A_112 = vector.broadcast %dot_general3A_111 : vector<1x8xf32> to vector<2048x8xf32>
    %add3A_113 = arith.addf %add3A_112, %sub3A : vector<2048x8xf32>
    %jit3A_114 = arith.constant 0.000000e+00 : f32
    %broadcast_in_dim3A_115 = vector.broadcast %jit3A_114 : f32 to vector<2048x8xf32>
    %select_n3A_116 = arith.select %eq3A_12, %add3A_113, %broadcast_in_dim3A_115 : vector<2048x8xi1>, vector<2048x8xf32>
    %reduce_sum3A_117 = arith.constant dense<0.000000e+00> : vector<2048xf32>
    %reduce_sum3A_118 = vector.multi_reduction <add>, %select_n3A_116, %reduce_sum3A_117 [1] : vector<2048x8xf32> to vector<2048xf32>
    %broadcast_in_dim3A_119 = vector.shape_cast %reduce_sum3A_118 : vector<2048xf32> to vector<2048x1xf32>
    %jit3A_120 = arith.constant 0.000000e+00 : f32
    %broadcast_in_dim3A_121 = vector.broadcast %jit3A_120 : f32 to vector<2048x8xf32>
    %select_n3A_122 = arith.select %eq3A_28, %add3A_113, %broadcast_in_dim3A_121 : vector<2048x8xi1>, vector<2048x8xf32>
    %reduce_sum3A_123 = arith.constant dense<0.000000e+00> : vector<2048xf32>
    %reduce_sum3A_124 = vector.multi_reduction <add>, %select_n3A_122, %reduce_sum3A_123 [1] : vector<2048x8xf32> to vector<2048xf32>
    %broadcast_in_dim3A_125 = vector.shape_cast %reduce_sum3A_124 : vector<2048xf32> to vector<2048x1xf32>
    %broadcast_in_dim3A_126 = vector.shape_cast %broadcast_in_dim3A_119 : vector<2048x1xf32> to vector<2048x1xf32>
    %broadcast_in_dim3A_127 = vector.broadcast %broadcast_in_dim3A_126 : vector<2048x1xf32> to vector<2048x8xf32>
    %convert_element_type3A_128 = arith.fptosi %broadcast_in_dim3A_127 : vector<2048x8xf32> to vector<2048x8xi32>
    %swap3A = arith.constant 0 : index
    %swap3A_129 = arith.constant 0 : index
    %swap3A_130 = vector.load %arg2[%swap3A, %swap3A_129] : memref<2048x8xi32, #tpu.memory_space<vmem>>, vector<2048x8xi32>
    tpu.vector_store %arg2[%swap3A, %swap3A_129], %convert_element_type3A_128 {strides = array<i32>} : memref<2048x8xi32, #tpu.memory_space<vmem>>, vector<2048x8xi32>,
    %broadcast_in_dim3A_131 = vector.shape_cast %broadcast_in_dim3A_125 : vector<2048x1xf32> to vector<2048x1xf32>
    %broadcast_in_dim3A_132 = vector.broadcast %broadcast_in_dim3A_131 : vector<2048x1xf32> to vector<2048x8xf32>
    %convert_element_type3A_133 = arith.fptosi %broadcast_in_dim3A_132 : vector<2048x8xf32> to vector<2048x8xi32>
    %swap3A_134 = arith.constant 0 : index
    %swap3A_135 = arith.constant 0 : index
    %swap3A_136 = vector.load %arg3[%swap3A_134, %swap3A_135] : memref<2048x8xi32, #tpu.memory_space<vmem>>, vector<2048x8xi32>
    tpu.vector_store %arg3[%swap3A_134, %swap3A_135], %convert_element_type3A_133 {strides = array<i32>} : memref<2048x8xi32, #tpu.memory_space<vmem>>, vector<2048x8xi32>,
    %broadcast_in_dim3A_137 = vector.shape_cast %broadcast_in_dim3A_38 : vector<2048x1xf32> to vector<2048x1xf32>
    %broadcast_in_dim3A_138 = vector.broadcast %broadcast_in_dim3A_137 : vector<2048x1xf32> to vector<2048x128xf32>
    %swap3A_139 = arith.constant 0 : index
    %swap3A_140 = arith.constant 0 : index
    %swap3A_141 = vector.load %arg4[%swap3A_139, %swap3A_140] : memref<2048x128xf32, #tpu.memory_space<vmem>>, vector<2048x128xf32>
    tpu.vector_store %arg4[%swap3A_139, %swap3A_140], %broadcast_in_dim3A_138 {strides = array<i32>} : memref<2048x128xf32, #tpu.memory_space<vmem>>, vector<2048x128xf32>,
    %broadcast_in_dim3A_142 = vector.shape_cast %broadcast_in_dim3A_44 : vector<2048x1xf32> to vector<2048x1xf32>
    %broadcast_in_dim3A_143 = vector.broadcast %broadcast_in_dim3A_142 : vector<2048x1xf32> to vector<2048x128xf32>
    %swap3A_144 = arith.constant 0 : index
    %swap3A_145 = arith.constant 0 : index
    %swap3A_146 = vector.load %arg5[%swap3A_144, %swap3A_145] : memref<2048x128xf32, #tpu.memory_space<vmem>>, vector<2048x128xf32>
    tpu.vector_store %arg5[%swap3A_144, %swap3A_145], %broadcast_in_dim3A_143 {strides = array<i32>} : memref<2048x128xf32, #tpu.memory_space<vmem>>, vector<2048x128xf32>,
    %reduce_sum3A_147 = arith.constant dense<0.000000e+00> : vector<1xf32>
    %reduce_sum3A_148 = vector.multi_reduction <add>, %mul3A_105, %reduce_sum3A_147 [1] : vector<1x8xf32> to vector<1xf32>
    %broadcast_in_dim3A_149 = vector.shape_cast %reduce_sum3A_148 : vector<1xf32> to vector<1x1xf32>
    %div3A_150 = arith.constant 2.560000e+02 : f32
    %div3A_151 = vector.broadcast %div3A_150 : f32 to vector<1x1xf32>
    %div3A_152 = arith.divf %broadcast_in_dim3A_149, %div3A_151 : vector<1x1xf32>
    %convert_element_type3A_153 = arith.fptosi %div3A_152 : vector<1x1xf32> to vector<1x1xi32>
    %swap3A_154 = arith.constant 0 : index
    %swap3A_155 = arith.constant 0 : index
    %swap3A_156 = vector.load %arg8[%swap3A_154, %swap3A_155] : memref<1x1xi32, #tpu.memory_space<vmem>>, vector<1x1xi32>
    tpu.vector_store %arg8[%swap3A_154, %swap3A_155], %convert_element_type3A_153 {strides = array<i32>} : memref<1x1xi32, #tpu.memory_space<vmem>>, vector<1x1xi32>,
    %iota3A_157 = tpu.iota {dimensions = array<i32: 0>} : vector<24x1xi32>
    %mul3A_158 = arith.constant 256 : i32
    %mul3A_159 = vector.broadcast %mul3A_158 : i32 to vector<24x1xi32>
    %mul3A_160 = arith.muli %iota3A_157, %mul3A_159 : vector<24x1xi32>
    %convert_element_type3A_161 = arith.sitofp %mul3A_160 : vector<24x1xi32> to vector<24x1xf32>
    %add3A_162 = arith.addf %dot_general3A_111, %mul3A_105 : vector<1x8xf32>
    %ge3A = vector.broadcast %convert_element_type3A_161 : vector<24x1xf32> to vector<24x8xf32>
    %ge3A_163 = vector.broadcast %add3A_162 : vector<1x8xf32> to vector<24x8xf32>
    %ge3A_164 = arith.cmpf oge, %ge3A, %ge3A_163 : vector<24x8xf32>
    %convert_element_type3A_165 = arith.extui %ge3A_164 : vector<24x8xi1> to vector<24x8xi32>
    %convert_element_type3A_166 = arith.sitofp %convert_element_type3A_165 : vector<24x8xi32> to vector<24x8xf32>
    %reduce_sum3A_167 = arith.constant dense<0.000000e+00> : vector<24xf32>
    %reduce_sum3A_168 = vector.multi_reduction <add>, %convert_element_type3A_166, %reduce_sum3A_167 [1] : vector<24x8xf32> to vector<24xf32>
    %broadcast_in_dim3A_169 = vector.shape_cast %reduce_sum3A_168 : vector<24xf32> to vector<24x1xf32>
    %min3A = arith.constant 7.000000e+00 : f32
    %min3A_170 = vector.broadcast %min3A : f32 to vector<24x1xf32>
    %min3A_171 = arith.minimumf %broadcast_in_dim3A_169, %min3A_170 : vector<24x1xf32>
    %convert_element_type3A_172 = arith.fptosi %min3A_171 : vector<24x1xf32> to vector<24x1xi32>
    %iota3A_173 = tpu.iota {dimensions = array<i32: 1>} : vector<24x8xi32>
    %eq3A_174 = vector.broadcast %convert_element_type3A_172 : vector<24x1xi32> to vector<24x8xi32>
    %eq3A_175 = arith.cmpi eq, %eq3A_174, %iota3A_173 : vector<24x8xi32>
    %add3A_176 = arith.addf %dot_general3A_111, %slice3A_98 : vector<1x8xf32>
    %jit3A_177 = arith.constant 0.000000e+00 : f32
    %broadcast_in_dim3A_178 = vector.shape_cast %add3A_176 : vector<1x8xf32> to vector<1x8xf32>
    %broadcast_in_dim3A_179 = vector.broadcast %broadcast_in_dim3A_178 : vector<1x8xf32> to vector<24x8xf32>
    %broadcast_in_dim3A_180 = vector.broadcast %jit3A_177 : f32 to vector<24x8xf32>
    %select_n3A_181 = arith.select %eq3A_175, %broadcast_in_dim3A_179, %broadcast_in_dim3A_180 : vector<24x8xi1>, vector<24x8xf32>
    %reduce_sum3A_182 = arith.constant dense<0.000000e+00> : vector<24xf32>
    %reduce_sum3A_183 = vector.multi_reduction <add>, %select_n3A_181, %reduce_sum3A_182 [1] : vector<24x8xf32> to vector<24xf32>
    %broadcast_in_dim3A_184 = vector.shape_cast %reduce_sum3A_183 : vector<24xf32> to vector<24x1xf32>
    %swap3A_185 = arith.constant 0 : index
    %swap3A_186 = arith.constant 0 : index
    %swap3A_187 = vector.load %arg6[%swap3A_185, %swap3A_186] : memref<24x1xi32, #tpu.memory_space<vmem>>, vector<24x1xi32>
    tpu.vector_store %arg6[%swap3A_185, %swap3A_186], %convert_element_type3A_172 {strides = array<i32>} : memref<24x1xi32, #tpu.memory_space<vmem>>, vector<24x1xi32>,
    %convert_element_type3A_188 = arith.fptosi %broadcast_in_dim3A_184 : vector<24x1xf32> to vector<24x1xi32>
    %swap3A_189 = arith.constant 0 : index
    %swap3A_190 = arith.constant 0 : index
    %swap3A_191 = vector.load %arg7[%swap3A_189, %swap3A_190] : memref<24x1xi32, #tpu.memory_space<vmem>>, vector<24x1xi32>
    tpu.vector_store %arg7[%swap3A_189, %swap3A_190], %convert_element_type3A_188 {strides = array<i32>} : memref<24x1xi32, #tpu.memory_space<vmem>>, vector<24x1xi32>,
    return
  }
}

</mosaic_0001>

<sc_bundles>
// kernel: kernel.4.cloned.1.call-start
scs
__scs_entry_jumppad:
0x0: {  	(pc) =	sbr.rel $0x88, $3  }
0x1: {  	(tag) =	ssettag $0x0;
	lr =	simm.s32 $0x1  }
0x2: {  	[smem:$0x3F9F] =	sst lr;
	_ =	strace $0xD0000000  }
0x3: {  	_ = 	snop  }
0x4: {  	_ = 	snop  }
0x5: {  	_ = 	snop  }
0x6: {  	_ = 	snop  }
0x7: {  	_ = 	snop  }
__scs_overlays_trampoline_lowered:
0x8: {  	[smem:$0x3FAE] =	sst s0  }
0x9: {  	[smem:$0x3FAF] =	sst s1  }
0xa: {  	[smem:$0x3FB0] =	sst s2  }
0xb: {  	[smem:$0x3FB1] =	sst s3  }
0xc: {  	[smem:$0x3FB2] =	sst s4  }
0xd: {  	[smem:$0x3FB3] =	sst s5  }
0xe: {  	[smem:$0x3FB4] =	sst s6  }
0xf: {  	[smem:$0x3FB5] =	sst s7  }
0x10: {  	[smem:$0x3FB6] =	sst s8  }
0x11: {  	[smem:$0x3FB7] =	sst s9;
	s0 =	simm.s32 @!p0 $0x0  }
0x12: {  	s1 =	sld [smem:$0x3F9D];
	s0 =	simm.s32 @p0 $0x1  }
0x13: {  	[smem:$0x3FB8] =	sst s0;
	s0 =	simm.s32 @!p1 $0x0  }
0x14: {  	s2 =	sld [smem:$0x3F9C];
	s0 =	simm.s32 @p1 $0x1  }
0x15: {  	[smem:$0x3FB9] =	sst s0;
	s0 =	simm.s32 @!p2 $0x0  }
0x16: {  	s3 =	sld [smem:$0x3FDB];
	s0 =	simm.s32 @p2 $0x1  }
0x17: {  	s4 =	simm.s32 $0x1BF5;
	[smem:$0x3FBB] =	sst s0  }
0x18: {  	s0 =	sld [smem:$0x3F9E];
	_ =	swait.ge [sflag:s4], $0x0  }
0x19: {  	s7 =	sld [smem:$0x3F9F]  }
0x1a: {  	s8 =	sadd.s32 $0xFFFFE003, lr  }
0x1b: {  	s9 =	sadd.s32 $0xFFFFFEF7, lr;
	s5 =	simm.s32 $0xFFFFFFFF;
	p2 =	slt.u32 s8, $0xFFFFF086  }
0x1c: {  	p1 =	slt.u32 s9, $0xF7A;
	s5 =	simm.s32 @!p2 $0x0  }
0x1d: {  	s5 =	simm.s32 @p1 $0x1;
	p0 =	seq.s32 s7, s2  }
0x1e: {  	s7 =	smul.u32 @!p0 $0xF7A, s2;
	p2 =	seq.s32 @!p0 s5, $0x0  }
0x1f: {  	s9 =	smul.u32 $0xF7A, s1;
	s8 =	simm.s32 @!p0 $0x1BF5;
	p2 =	por !p2, p0  }
0x20: {  	[sflag:s8] =	ssyncset.s32 @!p0 $0xFFFFF086;
	s6 =	sadd.s32 @!p0 s3, s7;
	s7 =	simm.s32 @!p0 $0x108  }
0x21: {  	s3 =	sadd.s32 s3, s9;
	s6 =	sadd.s32 @!p0 $0x88, s6;
	s7 =	simm.s32 @p2 $0x1082  }
0x22: {  	[simem:s7], [sflag:s8] =	dma.local @!p0 [hbm:s6], $0xF7A  }
0x23: {  	s9 =	sor.u32 $0xD0000000, s2;
	s6 =	simm.s32 $0x108;
	_ =	swait.ge @!p0 [sflag:s8], $0x0  }
0x24: {  	s3 =	sadd.s32 $0x88, s3;
	s6 =	simm.s32 @!p1 $0x1082;
	[sflag:s4] =	ssyncset.s32 $0xFFFFF086  }
0x25: {  	[simem:s6], [sflag:s4] =	dma.local [hbm:s3], $0xF7A  }
0x26: {  	[smem:$0x3F9F] =	sst s1;
	(tag) =	ssettag s2;
	_ =	strace s9  }
0x27: {  	s1 =	sld [smem:$0x3FAF]  }
0x28: {  	s2 =	sld [smem:$0x3FB0]  }
0x29: {  	s4 =	sld [smem:$0x3FB2]  }
0x2a: {  	p0 =	seq.s32 s5, $0x0;
	s5 =	sld [smem:$0x3FB3]  }
0x2b: {  	s6 =	sld [smem:$0x3FB4]  }
0x2c: {  	s7 =	sld [smem:$0x3FB5]  }
0x2d: {  	s3 =	simm.s32 $0x108;
	s8 =	sld [smem:$0x3FB6]  }
0x2e: {  	s3 =	simm.s32 @!p0 $0x1082;
	s9 =	sld [smem:$0x3FB7]  }
0x2f: {  	lr =	sadd.s32 s0, s3;
	s0 =	sld [smem:$0x3FAE]  }
0x30: {  	s3 =	sld [smem:$0x3FB1]  }
0x31: {  	[smem:$0x3FBA] =	sst s10  }
0x32: {  	s10 =	sld [smem:$0x3FB8];
	_ =	sdelay $0x3  }
0x33: {  	p0 =	seq.s32 s10, $0x1;
	s10 =	sld [smem:$0x3FBA];
	_ =	sdelay $0x3  }
0x34: {  	[smem:$0x3FBA] =	sst s10  }
0x35: {  	s10 =	sld [smem:$0x3FB9];
	_ =	sdelay $0x3  }
0x36: {  	p1 =	seq.s32 s10, $0x1;
	s10 =	sld [smem:$0x3FBA];
	_ =	sdelay $0x3  }
0x37: {  	[smem:$0x3FBA] =	sst s10  }
0x38: {  	s10 =	sld [smem:$0x3FBB]  }
0x39: {  	_ = 	snop;
	(pc) =	sbr.ind lr, $3  }
0x3a: {  	_ = 	snop  }
0x3b: {  	_ = 	snop  }
0x3c: {  	p2 =	seq.s32 s10, $0x1;
	s10 =	sld [smem:$0x3FBA]  }
0x3d: {  	_ =	shalt  }
0x3e: {  	_ =	shalt  }
0x3f: {  	_ =	shalt  }
0x40: {  	_ =	shalt  }
0x41: {  	_ =	shalt  }
0x42: {  	_ =	shalt  }
0x43: {  	_ =	shalt  }
0x44: {  	_ =	shalt  }
0x45: {  	_ =	shalt  }
0x46: {  	_ =	shalt  }
0x47: {  	_ =	shalt  }
0x48: {  	_ =	shalt  }
0x49: {  	_ =	shalt  }
0x4a: {  	_ =	shalt  }
0x4b: {  	_ =	shalt  }
0x4c: {  	_ =	shalt  }
0x4d: {  	_ =	shalt  }
0x4e: {  	_ =	shalt  }
0x4f: {  	_ =	shalt  }
0x50: {  	_ =	shalt  }
0x51: {  	_ =	shalt  }
0x52: {  	_ =	shalt  }
0x53: {  	_ =	shalt  }
0x54: {  	_ =	shalt  }
0x55: {  	_ =	shalt  }
0x56: {  	_ =	shalt  }
0x57: {  	_ =	shalt  }
0x58: {  	_ =	shalt  }
0x59: {  	_ =	shalt  }
0x5a: {  	_ =	shalt  }
0x5b: {  	_ =	shalt  }
0x5c: {  	_ =	shalt  }
0x5d: {  	_ =	shalt  }
0x5e: {  	_ =	shalt  }
0x5f: {  	_ =	shalt  }
0x60: {  	_ =	shalt  }
0x61: {  	_ =	shalt  }
0x62: {  	_ =	shalt  }
0x63: {  	_ =	shalt  }
0x64: {  	_ =	shalt  }
0x65: {  	_ =	shalt  }
0x66: {  	_ =	shalt  }
0x67: {  	_ =	shalt  }
0x68: {  	_ =	shalt  }
0x69: {  	_ =	shalt  }
0x6a: {  	_ =	shalt  }
0x6b: {  	_ =	shalt  }
0x6c: {  	_ =	shalt  }
0x6d: {  	_ =	shalt  }
0x6e: {  	_ =	shalt  }
0x6f: {  	_ =	shalt  }
0x70: {  	_ =	shalt  }
0x71: {  	_ =	shalt  }
0x72: {  	_ =	shalt  }
0x73: {  	_ =	shalt  }
0x74: {  	_ =	shalt  }
0x75: {  	_ =	shalt  }
0x76: {  	_ =	shalt  }
0x77: {  	_ =	shalt  }
0x78: {  	_ =	shalt  }
0x79: {  	_ =	shalt  }
0x7a: {  	_ =	shalt  }
0x7b: {  	_ =	shalt  }
0x7c: {  	_ =	shalt  }
0x7d: {  	_ =	shalt  }
0x7e: {  	_ =	shalt  }
0x7f: {  	_ =	shalt  }
0x80: {  	_ =	shalt  }
0x81: {  	_ =	shalt  }
0x82: {  	_ =	shalt  }
0x83: {  	_ =	shalt  }
0x84: {  	_ =	shalt  }
0x85: {  	_ =	shalt  }
0x86: {  	_ =	shalt  }
0x87: {  	_ =	shalt  }
.Lfunc_end0:
.L_simem_size_0:
called_computation_lowered:
.L_overlay_start_0:
0x88: {  	s2 =	sld [smem:$0x3FD9]  }
0x89: {  	s3 =	sld [smem:$0x3FFE];
	_ =	sdelay $0x1  }
0x8a: {  	s1 =	srdreg.scid  }
0x8b: {  	s0 =	sand.u32 $0x1, s1  }
0x8c: {  	s17 =	sshll.u32 s0, $0xA;
	s2 =	sadd.s32 s3, s2  }
0x8d: {  	s2 =	sadd.s32 s2, s17  }
0x8e: {  	[smem:$0x3FC6] =	sst s2  }
0x8f: {  	_ = 	snop  }
0x90: {  	s2 =	sld [smem:$0x3FC9];
	(tm) =	ssettm $0x1  }
0x91: {  	s18 =	sld [smem:$0x3FFB];
	_ =	sdelay $0x3  }
0x92: {  	_ =	strace s18  }
0x93: {  	s3 =	sld [smem:$0x3FFC];
	_ =	sdelay $0x3  }
0x94: {  	_ =	strace s3  }
0x95: {  	s3 =	sld [smem:$0x3FFD];
	_ =	sdelay $0x3  }
0x96: {  	_ =	strace s3  }
0x97: {  	_ =	strace $0x8FFFFFFF  }
0x98: {  	s19 =	sld [smem:$0x3FDB];
	_ =	sdelay $0x1  }
0x99: {  	s4 =	simm.s32 $_scs_section_size  }
0x9a: {  	s5 =	simm.s32 $_size__tile_overlayer_lowered;
	s6 =	simm.s32 $_tile_overlayer_lowered  }
0x9b: {  	s22 =	simm.s32 $0x1BFF;
	s21 =	sshll.u32 s6, $0x1;
	s3 =	sadd.s32 s4, s19  }
0x9c: {  	s7 =	simm.s32 $0x0;
	s20 =	sshll.u32 s5, $0x1;
	s5 =	sadd.s32 s21, s3  }
0x9d: {  	[timem:s7], [sflag:s22] =	dma.local [hbm:s5], s20  }
0x9e: {  	_ =	swait.ge [sflag:s22], s20  }
0x9f: {  	s4 =	ssub.s32 $0x0, s20;
	[sflag:s22] =	ssyncset.done $0x0  }
0xa0: {  	[sflag:s22] =	ssyncadd.s32 s4;
	_ =	sdelay $0x1  }
0xa1: {  	s23 =	simm.s32 $0x1B8B  }
0xa2: {  	_ =	swait.ge [sflag:s23], $0x1  }
0xa3: {  	[sflag:s23] =	ssyncset.done $0x0  }
0xa4: {  	s25 =	simm.s32 $0x1B8E;
	s24 =	sld [smem:$0x3FFE];
	[sflag:s23] =	ssyncadd.s32 $0xFFFFFFFF  }
0xa5: {  	s26 =	simm.s32 $execute0_lowered;
	[smem:$0x3FD2] =	sst s25  }
0xa6: {  	s5 =	sshll.u32 s26, $0x1;
	_ =	strace $0x80000046;
	[dreg:$0x1] =	wrdreg $0xFFFFFFFF  }
0xa7: {  	s28 =	simm.s32 $_size_execute0_lowered;
	s3 =	sadd.s32 s3, s5;
	[dreg:$0x0] =	wrdreg $0x0  }
0xa8: {  	s5 =	sshll.u32 s28, $0x1;
	[dreg:$0x2] =	wrdreg s3  }
0xa9: {  	[dreg:$0x3] =	wrdreg s5  }
0xaa: {  	[dreg:$0x4] =	wrdreg $0xC0  }
0xab: {  	_ =	task [dreg:s7], $0x5FFFF  }
0xac: {  	[dreg:$0x1] =	wrdreg $0xFFFFFFFF  }
0xad: {  	[dreg:$0x0] =	wrdreg $0x60  }
0xae: {  	[dreg:$0x2] =	wrdreg s2  }
0xaf: {  	[dreg:$0x3] =	wrdreg s24  }
0xb0: {  	[dreg:$0x4] =	wrdreg $0x9  }
0xb1: {  	_ =	task.clear_ibuf [dreg:s7], $0x5FFFF;
	_ =	strace $0x90000046  }
0xb2: {  	s29 =	simm.s32 $0x9;
	_ =	strace $0x80000048  }
0xb3: {  	_ =	swait.ge [sflag:s29], $0x1  }
0xb4: {  	[sflag:s29] =	ssyncadd.s32 $0xFFFFFFFF  }
0xb5: {  	_ =	strace $0x90000048  }
0xb6: {  	_ =	sfence  }
0xb7: {  	s30 =	sld [smem:$0x0];
	_ =	sdelay $0x2  }
0xb8: {  	s31 =	sshll.u32 s1, $0xD;
	s1 =	sshrl.u32 s1, $0x2  }
0xb9: {  	s3 =	sand.u32 $0x4000, s31;
	s1 =	sadd.s32 s1, s30  }
0xba: {  	s0 =	sor.u32 s3, s0;
	s1 =	sshll.u32 s1, $0x11  }
0xbb: {  	s0 =	sor.u32 s1, s0  }
0xbc: {  	s0 =	sadd.s32 $0x8F2B, s0  }
0xbd: {  	[sflag:s0] =	ssyncadd.remote.s32 $0x1  }
0xbe: {  	_ =	sfence.sel $0xFFFF  }
0xbf: {  	[dreg:$0x0] =	wrdreg $0xFFFFFFFF;
	(pc) =	sbr.abs _section_cstart, $3  }
0xc0: {  	[dreg:$0x1] =	wrdreg $0xFFFFFFFF  }
0xc1: {  	_ =	task.clear_ibuf [dreg:s7], $0x2FFFF;
	_ =	strace $0x9FFFFFFF  }
0xc2: {  	(tm) =	ssettm $0x7FFFFFFF  }
0xc3: {  	_ =	shalt  }
tec
execute0_lowered:
.L_overlay_start_1:
0x0: {  	(tag) =	ssettag $0x1  }
0x1: {  	s1 =	srdreg.scid  }
0x2: {  	s3 =	rddreg [dreg:$0x0];
	s0 =	stileid.u32;
	s20 =	sand.u32 $0x1, s1  }
0x3: {  	s18 =	rddreg [dreg:$0x1];
	s4 =	sshll.u32 s0, $0x7;
	s5 =	sshll.u32 s20, $0x6  }
0x4: {  	s2 =	simm.s32 $0x0;
	s1 =	rddreg [dreg:$0x2];
	s9 =	sor.u32 s5, s4  }
0x5: {  	[smem:$0x7FF] =	sst s2;
	s4 =	sshll.u32 s9, $0x7  }
0x6: {  	_ =	strace $0x80000047;
	s3 =	sadd.s32 s3, s4;
	s4 =	simm.s32 $0x2  }
0x7: {  	[tilespmem:s2], [sflag:$0x2] =	stream.linear.gather [hbm4b:s3+s2], $0x10000, $0x38;
	[tilespmem:$0x14100] =	vst v63  }
0x8: {  	s5 =	sshll.u32 s9, $0x4;
	_ =	swait.ge [sflag:s4], $0x10000  }
0x9: {  	s7 =	sadd.s32 s5, s18;
	[sflag:s4] =	ssyncset.done $0x0  }
0xa: {  	s6 =	simm.s32 $0x10000;
	s5 =	sadd.s32 $0xA00, s7;
	[sflag:s4] =	ssyncadd.s32 $0xFFFF0000  }
0xb: {  	[tilespmem:s6], [sflag:$0x2] =	stream.linear.gather [hbm4b:s5+s2], $0x2000, $0x38;
	[tilespmem:$0x14100] =	vst v63  }
0xc: {  	_ =	swait.ge [sflag:s4], $0x2000  }
0xd: {  	[sflag:s4] =	ssyncset.done $0x0  }
0xe: {  	s8 =	simm.s32 $0x12000;
	s7 =	sadd.s32 $0x8A00, s7;
	[sflag:s4] =	ssyncadd.s32 $0xFFFFE000  }
0xf: {  	[tilespmem:s8], [sflag:$0x2] =	stream.linear.gather [hbm4b:s7+s2], $0x2000, $0x38;
	[tilespmem:$0x14100] =	vst v63  }
0x10: {  	s9 =	sshrl.u32 s9, $0x3;
	_ =	swait.ge [sflag:s4], $0x2000  }
0x11: {  	s11 =	sadd.s32 s9, s18;
	[sflag:s4] =	ssyncset.done $0x0  }
0x12: {  	s10 =	simm.s32 $0x14000;
	s9 =	sadd.s32 $0x10C00, s11;
	[sflag:s4] =	ssyncadd.s32 $0xFFFFE000  }
0x13: {  	[tilespmem:s10], [sflag:$0x2] =	stream.linear.gather [hbm4b:s9+s2], $0x40, $0x38;
	[tilespmem:$0x14100] =	vst v63  }
0x14: {  	_ =	swait.ge [sflag:s4], $0x40  }
0x15: {  	[sflag:s4] =	ssyncset.done $0x0  }
0x16: {  	s12 =	simm.s32 $0x14080;
	s11 =	sadd.s32 $0x10A00, s11;
	[sflag:s4] =	ssyncadd.s32 $0xFFFFFFC0  }
0x17: {  	[tilespmem:s12], [sflag:$0x2] =	stream.linear.gather [hbm4b:s11+s2], $0x40, $0x38;
	[tilespmem:$0x14100] =	vst v63  }
0x18: {  	_ =	swait.ge [sflag:s4], $0x40  }
0x19: {  	[sflag:s4] =	ssyncset.done $0x0  }
0x1a: {  	[sflag:s4] =	ssyncadd.s32 $0xFFFFFFC0  }
0x1b: {  	v0 =	vld [tilespmem:$0x14000];
	_ =	sdelay $0x4  }
0x1c: {  	v1 =	vshll.u32 v0, $0x3  }
0x1d: {  	v2 =	vlaneseq.u32;
	v3 =	vand.u32 $0x7, v0;
	v1 =	vand.u32 $0xFFFFFFC0, v1  }
0x1e: {  	v4 =	vshrl.u32 v2, $0x3;
	v0 =	vand.u32 $0x7, v2;
	v3 =	vor.u32 v3, v1  }
0x1f: {  	v1 =	vmul.u32 $0x8, v4;
	v63 =	vperm.xlane v3, v0;
	_ =	sdelay $0x1  }
0x20: {  	v4 =	vadd.s32 v1, v63;
	_ =	sdelay $0x3  }
0x21: {  	vm0 =	vmmov $0xffff;
	s13 =	sadd.s32 $0x10E00, s18  }
0x22: {  	v2 =	vor.u32 $0x8, v2;
	[hbm4b:s13+s2] =	stream.indirect_vreg.scatter [tilespmem:s2], [sflag:$0x1], $0x80, v4, vm0, $0xb8;
	[tilespmem:$0x14100] =	vst v63  }
0x23: {  	s15 =	simm.s32 $0x800;
	s14 =	sadd.s32 $0x10F00, s18;
	v3 =	vperm.xlane v3, v2  }
0x24: {  	[hbm4b:s14+s2] =	stream.indirect_vreg.scatter [tilespmem:s15], [sflag:$0x1], $0x80, v4, vm0, $0xb8;
	[tilespmem:$0x14100] =	vst v63  }
0x25: {  	s17 =	simm.s32 $0x1000;
	s16 =	sadd.s32 $0x11000, s18;
	s22 =	ssub.s32 $0x2, s20;
	v3 =	vadd.s32 v1, v3  }
0x26: {  	[hbm4b:s16+s2] =	stream.indirect_vreg.scatter [tilespmem:s17], [sflag:$0x1], $0x80, v4, vm0, $0xb8;
	[tilespmem:$0x14100] =	vst v63  }
0x27: {  	s19 =	simm.s32 $0x1800;
	s23 =	sshrl.u32 s22, $0x1;
	s18 =	sadd.s32 $0x11100, s18  }
0x28: {  	[hbm4b:s18+s2] =	stream.indirect_vreg.scatter [tilespmem:s19], [sflag:$0x1], $0x80, v4, vm0, $0xb8;
	[tilespmem:$0x14100] =	vst v63  }
0x29: {  	s20 =	simm.s32 $0x2000;
	s23 =	ssub.s32 s22, s23  }
0x2a: {  	[hbm4b:s13+s2] =	stream.indirect_vreg.scatter [tilespmem:s20], [sflag:$0x1], $0x80, v3, vm0, $0xb8;
	[tilespmem:$0x14100] =	vst v63  }
0x2b: {  	s21 =	simm.s32 $0x2800;
	s25 =	smax.u32 s23, $0x1  }
0x2c: {  	[hbm4b:s14+s2] =	stream.indirect_vreg.scatter [tilespmem:s21], [sflag:$0x1], $0x80, v3, vm0, $0xb8;
	[tilespmem:$0x14100] =	vst v63  }
0x2d: {  	s22 =	simm.s32 $0x3000;
	p0 =	sne.s32 s25, $0x1  }
0x2e: {  	[hbm4b:s16+s2] =	stream.indirect_vreg.scatter [tilespmem:s22], [sflag:$0x1], $0x80, v3, vm0, $0xb8;
	[tilespmem:$0x14100] =	vst v63  }
.Ltmp0:
0x2f: {  	_ = 	snop;
	(pc) =	sbr.rel @!p0 .LBB2_2-.Ltmp0, $4  }
0x30: {  	s24 =	simm.s32 $0x3800;
	s23 =	simm.s32 $0x1  }
0x31: {  	[hbm4b:s18+s2] =	stream.indirect_vreg.scatter [tilespmem:s24], [sflag:$0x1], $0x80, v3, vm0, $0xb8;
	[tilespmem:$0x14100] =	vst v63  }
0x32: {  	_ =	swait.ge [sflag:s23], $0x4000  }
0x33: {  	s25 =	sadd.s32 $0xFFFFFFFF, s25;
	[sflag:s23] =	ssyncset.done $0x0  }
.LBB2_1:
0x34: {  	p0 =	sne.s32 s25, $0x1;
	s25 =	sadd.s32 $0xFFFFFFFF, s25;
	[sflag:s23] =	ssyncadd.s32 $0xFFFFC000  }
0x35: {  	_ = 	snop  }
0x36: {  	[tilespmem:s2], [sflag:$0x2] =	stream.linear.gather [hbm4b:s3+s2], $0x10000, $0x38;
	[tilespmem:$0x14100] =	vst v63  }
0x37: {  	_ =	swait.ge [sflag:s4], $0x10000  }
0x38: {  	[sflag:s4] =	ssyncset.done $0x0  }
0x39: {  	[sflag:s4] =	ssyncadd.s32 $0xFFFF0000  }
0x3a: {  	[tilespmem:s6], [sflag:$0x2] =	stream.linear.gather [hbm4b:s5+s2], $0x2000, $0x38;
	[tilespmem:$0x14100] =	vst v63  }
0x3b: {  	_ =	swait.ge [sflag:s4], $0x2000  }
0x3c: {  	[sflag:s4] =	ssyncset.done $0x0  }
0x3d: {  	[sflag:s4] =	ssyncadd.s32 $0xFFFFE000  }
0x3e: {  	[tilespmem:s8], [sflag:$0x2] =	stream.linear.gather [hbm4b:s7+s2], $0x2000, $0x38;
	[tilespmem:$0x14100] =	vst v63  }
0x3f: {  	_ =	swait.ge [sflag:s4], $0x2000  }
0x40: {  	[sflag:s4] =	ssyncset.done $0x0  }
0x41: {  	[sflag:s4] =	ssyncadd.s32 $0xFFFFE000  }
0x42: {  	[tilespmem:s10], [sflag:$0x2] =	stream.linear.gather [hbm4b:s9+s2], $0x40, $0x38;
	[tilespmem:$0x14100] =	vst v63  }
0x43: {  	_ =	swait.ge [sflag:s4], $0x40  }
0x44: {  	[sflag:s4] =	ssyncset.done $0x0  }
0x45: {  	[sflag:s4] =	ssyncadd.s32 $0xFFFFFFC0  }
0x46: {  	[tilespmem:s12], [sflag:$0x2] =	stream.linear.gather [hbm4b:s11+s2], $0x40, $0x38;
	[tilespmem:$0x14100] =	vst v63  }
0x47: {  	_ =	swait.ge [sflag:s4], $0x40  }
0x48: {  	[sflag:s4] =	ssyncset.done $0x0  }
0x49: {  	[sflag:s4] =	ssyncadd.s32 $0xFFFFFFC0  }
0x4a: {  	v3 =	vld [tilespmem:$0x14000];
	_ =	sdelay $0x4  }
0x4b: {  	v4 =	vshll.u32 v3, $0x3  }
0x4c: {  	v3 =	vand.u32 $0x7, v3;
	v4 =	vand.u32 $0xFFFFFFC0, v4  }
0x4d: {  	v3 =	vor.u32 v3, v4  }
0x4e: {  	v4 =	vperm.xlane v3, v0;
	v3 =	vperm.xlane v3, v2;
	_ =	sdelay $0x1  }
0x4f: {  	v4 =	vadd.s32 v1, v4;
	_ =	sdelay $0x4  }
0x50: {  	[hbm4b:s13+s2] =	stream.indirect_vreg.scatter [tilespmem:s2], [sflag:$0x1], $0x80, v4, vm0, $0xb8;
	[tilespmem:$0x14100] =	vst v63  }
0x51: {  	_ = 	snop  }
0x52: {  	[hbm4b:s14+s2] =	stream.indirect_vreg.scatter [tilespmem:s15], [sflag:$0x1], $0x80, v4, vm0, $0xb8;
	[tilespmem:$0x14100] =	vst v63  }
0x53: {  	v3 =	vadd.s32 v1, v3  }
0x54: {  	[hbm4b:s16+s2] =	stream.indirect_vreg.scatter [tilespmem:s17], [sflag:$0x1], $0x80, v4, vm0, $0xb8;
	[tilespmem:$0x14100] =	vst v63  }
0x55: {  	_ = 	snop  }
0x56: {  	[hbm4b:s18+s2] =	stream.indirect_vreg.scatter [tilespmem:s19], [sflag:$0x1], $0x80, v4, vm0, $0xb8;
	[tilespmem:$0x14100] =	vst v63  }
0x57: {  	_ = 	snop  }
0x58: {  	[hbm4b:s13+s2] =	stream.indirect_vreg.scatter [tilespmem:s20], [sflag:$0x1], $0x80, v3, vm0, $0xb8;
	[tilespmem:$0x14100] =	vst v63  }
0x59: {  	_ = 	snop  }
0x5a: {  	[hbm4b:s14+s2] =	stream.indirect_vreg.scatter [tilespmem:s21], [sflag:$0x1], $0x80, v3, vm0, $0xb8;
	[tilespmem:$0x14100] =	vst v63  }
0x5b: {  	_ = 	snop  }
0x5c: {  	[hbm4b:s16+s2] =	stream.indirect_vreg.scatter [tilespmem:s22], [sflag:$0x1], $0x80, v3, vm0, $0xb8;
	[tilespmem:$0x14100] =	vst v63  }
.Ltmp1:
0x5d: {  	_ = 	snop;
	(pc) =	sbr.rel @p0 .LBB2_1-.Ltmp1, $4  }
0x5e: {  	_ = 	snop  }
0x5f: {  	[hbm4b:s18+s2] =	stream.indirect_vreg.scatter [tilespmem:s24], [sflag:$0x1], $0x80, v3, vm0, $0xb8;
	[tilespmem:$0x14100] =	vst v63  }
0x60: {  	_ =	swait.ge [sflag:s23], $0x4000  }
0x61: {  	[sflag:s23] =	ssyncset.done $0x0  }
.LBB2_2:
0x62: {  	[sflag:s23] =	ssyncadd.s32 $0xFFFFC000  }
0x63: {  	_ =	sfence.sel $0x180000  }
0x64: {  	[bflag:$0x0] =	sbarrier.arrive $0xFFFF  }
0x65: {  	p0 =	sne.s32 s0, $0x0;
	_ =	strace $0x90000047  }
0x66: {  	s0 =	sadd.s32 @!p0 $0x100000, s1;
	[bflag:$0x2] =	sbarrier.arrive $0xFFFF  }
0x67: {  	[sflag:s0] =	ssyncadd.tile.s32 @!p0 $0x1;
	_ =	shalt  }
.Lfunc_end2:
_tile_overlayer_lowered:
.L_overlay_start_2:
0x68: {  	(tag) =	ssettag $0x2  }
0x69: {  	s0 =	rddreg [dreg:$0x0];
	s2 =	stileid.u32  }
0x6a: {  	s1 =	rddreg [dreg:$0x1];
	p0 =	sne.s32 s2, $0x0  }
0x6b: {  	s3 =	rddreg [dreg:$0x2];
	[bflag:$0x3] =	sbarrier.arrive $0xFFFF;
	s2 =	simm.s32 @!p0 $0x1C02  }
0x6c: {  	[timem:s3], [sflag:s2] =	dma.local @!p0 [hbm:s0], s1  }
0x6d: {  	s0 =	simm.s32 @!p0 $0x2  }
0x6e: {  	_ =	swait.ge @!p0 [sflag:s0], s1  }
0x6f: {  	s1 =	ssub.s32 @!p0 $0x0, s1;
	[sflag:s0] =	ssyncset.done @!p0 $0x0  }
0x70: {  	[sflag:s0] =	ssyncadd.s32 @!p0 s1  }
0x71: {  	[bflag:$0x3] =	sbarrier.arrive $0xFFFF  }
0x72: {  	_ =	shalt  }

</sc_bundles>
